<compile_context>
chip_gen: v7x
topology: tpu7x:2x2x1
jax: 0.10.2.dev20260603
libtpu: 0.0.44.dev20260713+nightly
codegen_flags: <defaults>
</compile_context>

<pallas_src>
import functools
import math

import jax
import jax.numpy as jnp
from jax import lax
from jax.experimental import pallas as pl
from jax.experimental.pallas import tpu as pltpu
from jax.experimental.pallas import tpu_sc as plsc

D_MODEL = 768
SCALE = float(math.sqrt(D_MODEL))
LANES = 16
VPR = D_MODEL // LANES


@functools.lru_cache(maxsize=None)
def _build(batch: int):
    info = plsc.get_sparse_core_info()
    nc, ns = info.num_cores, info.num_subcores
    nw = nc * ns
    bpw = batch // nw
    chunk = 64
    nchunk = bpw // chunk
    nbuf = 2

    mesh = plsc.VectorSubcoreMesh(core_axis_name="c", subcore_axis_name="s")

    @functools.partial(
        pl.kernel,
        mesh=mesh,
        out_type=jax.ShapeDtypeStruct((batch, D_MODEL), jnp.float32),
        scratch_types=[
            pltpu.VMEM((bpw,), jnp.int32),
        ]
        + [pltpu.VMEM((chunk, D_MODEL), jnp.float32)] * nbuf
        + [pltpu.SemaphoreType.DMA] * (2 * nbuf),
    )
    def emb(idx_hbm, table_hbm, out_hbm, idx_v, *bufs_and_sems):
        bufs = bufs_and_sems[:nbuf]
        gsems = bufs_and_sems[nbuf : 2 * nbuf]
        osems = bufs_and_sems[2 * nbuf :]
        wid = lax.axis_index("s") * nc + lax.axis_index("c")
        base = wid * bpw
        pltpu.sync_copy(idx_hbm.at[pl.ds(base, bpw)], idx_v)

        def gather(g):
            b = g % nbuf
            return pltpu.async_copy(
                table_hbm.at[idx_v.at[pl.ds(g * chunk, chunk)]], bufs[b], gsems[b]
            )

        def scale(buf):
            def scale_row(r, c):
                for j in range(VPR):
                    buf[r, pl.ds(j * LANES, LANES)] = (
                        buf[r, pl.ds(j * LANES, LANES)] * SCALE
                    )
                return c

            lax.fori_loop(0, chunk, scale_row, 0)

        gh = {0: gather(0)}
        gh[0].wait()
        oh = {}
        for g in range(nchunk):
            b = g % nbuf
            if g >= nbuf:
                oh[g - nbuf].wait()
            oh[g] = pltpu.async_copy(
                bufs[b], out_hbm.at[pl.ds(base + g * chunk, chunk)], osems[b]
            )
        for g in range(max(0, nchunk - nbuf), nchunk):
            oh[g].wait()

    return emb


def kernel(x, table):
    idx = x.reshape(-1).astype(jnp.int32)
    out = _build(idx.shape[0])(idx, table)
    return out.reshape(*x.shape, D_MODEL)

# --- scband reference (transcript-rebuilt; emitter-appended) ---
"""Pipeline reference for scband-input-embeddings-87686052315159 (READ-ONLY COPY).

The authoritative reference and input builder live on the scoring server;
editing this copy changes nothing except your own understanding.
"""

import jax, jax.numpy as jnp
import numpy as np
import math

D_MODEL = 768
WINDOW = 1000000

def setup_inputs(seed: int = 0) -> dict:
    key = jax.random.key(seed)
    k_idx, k_tab = jax.random.split(key)
    x = jax.random.randint(k_idx, (4, 8192), 0, WINDOW, dtype=jnp.int64 if jax.config.jax_enable_x64 else jnp.int32)
    table = jax.random.normal(k_tab, (WINDOW, D_MODEL), dtype=jnp.float32)
    return {"x": x, "table": table}

def reference(x, table):
    # nn.Embedding lookup followed by sqrt(d_model) scaling
    emb = jnp.take(table, x, axis=0)
    return emb * math.sqrt(D_MODEL)

if __name__ == "__main__":
    import jax
    _d = setup_inputs()
    print(jax.jit(kernel)(*tuple(_d.values())))

</pallas_src>

<mosaic_0001>
#map = affine_map<(d0, d1) -> (0)>
#map1 = affine_map<(d0, d1) -> (0, 0)>
module attributes {stable_mosaic.version = 14 : i64} {
  func.func @emb(%arg0: i32, %arg1: i32, %arg2: memref<32768xi32, #tpu.memory_space<hbm>>, %arg3: memref<1000000x768xf32, #tpu.memory_space<hbm>>, %arg4: memref<32768x768xf32, #tpu.memory_space<hbm>>, %arg5: memref<1024xi32, #tpu.memory_space<vmem>>, %arg6: memref<64x768xf32, #tpu.memory_space<vmem>>, %arg7: memref<64x768xf32, #tpu.memory_space<vmem>>, %arg8: memref<!tpu.dma_semaphore, #tpu.memory_space<semaphore_mem>>, %arg9: memref<!tpu.dma_semaphore, #tpu.memory_space<semaphore_mem>>, %arg10: memref<!tpu.dma_semaphore, #tpu.memory_space<semaphore_mem>>, %arg11: memref<!tpu.dma_semaphore, #tpu.memory_space<semaphore_mem>>) attributes {dimension_semantics = [#tpu.dimension_semantics<core_parallel>, #tpu.dimension_semantics<subcore_parallel>], iteration_bounds = array<i64: 2, 16>, scalar_prefetch = 0 : i64, scratch_operands = 7 : i64, tpu.core_type = #tpu.core_type<sc_vector_subcore>, window_params = [{transform_indices = #map}, {transform_indices = #map1}, {transform_indices = #map1}]} {
    %mul3A = arith.constant 2 : i32
    %mul3A_0 = arith.muli %arg1, %mul3A : i32
    %add3A = arith.addi %mul3A_0, %arg0 : i32
    %mul3A_1 = arith.constant 1024 : i32
    %mul3A_2 = arith.muli %add3A, %mul3A_1 : i32
    "tpu.region"() ({
      %run_scoped3A = tpu.sem_alloc : memref<!tpu.dma_semaphore, #tpu.memory_space<semaphore_mem>>
      %dma_start3A_171 = tpu.memref_slice %arg2[%mul3A_2] : memref<32768xi32, #tpu.memory_space<hbm>> -> memref<1024xi32, #tpu.memory_space<hbm>>
      %dma_start3A_172 = tpu.memref_slice %arg2[%mul3A_2] : memref<32768xi32, #tpu.memory_space<hbm>> -> memref<1024xi32, #tpu.memory_space<hbm>>
      tpu.enqueue_dma source(%dma_start3A_172 : memref<1024xi32, #tpu.memory_space<hbm>>) target(%arg5 : memref<1024xi32, #tpu.memory_space<vmem>>) target_semaphore(%run_scoped3A : memref<!tpu.dma_semaphore, #tpu.memory_space<semaphore_mem>>)
      %dma_wait3A_173 = tpu.memref_slice %arg2[%mul3A_2] : memref<32768xi32, #tpu.memory_space<hbm>> -> memref<1024xi32, #tpu.memory_space<hbm>>
      %dma_wait3A_174 = tpu.memref_slice %arg2[%mul3A_2] : memref<32768xi32, #tpu.memory_space<hbm>> -> memref<1024xi32, #tpu.memory_space<hbm>>
      tpu.wait_dma2 semaphore(%run_scoped3A : memref<!tpu.dma_semaphore, #tpu.memory_space<semaphore_mem>>) src(%dma_wait3A_174 : memref<1024xi32, #tpu.memory_space<hbm>>) dst(%arg5 : memref<1024xi32, #tpu.memory_space<vmem>>)
      tpu.yield
    }) : () -> ()
    %dma_start3A = arith.constant 0 : i32
    %dma_start3A_3 = tpu.memref_slice %arg5[%dma_start3A] : memref<1024xi32, #tpu.memory_space<vmem>> -> memref<64xi32, #tpu.memory_space<vmem>>
    %dma_start3A_4 = arith.constant 0 : i32
    %dma_start3A_5 = arith.constant 0 : i32
    %dma_start3A_6 = tpu.memref_slice %arg3[%dma_start3A_4, %dma_start3A_5] : memref<1000000x768xf32, #tpu.memory_space<hbm>> -> memref<1000000x768xf32, #tpu.memory_space<hbm>>
    tpu.enqueue_indirect_dma source(%dma_start3A_6 : memref<1000000x768xf32, #tpu.memory_space<hbm>>) target(%arg6 : memref<64x768xf32, #tpu.memory_space<vmem>>) offsets(%dma_start3A_3 : memref<64xi32, #tpu.memory_space<vmem>>) semaphore(%arg8 : memref<!tpu.dma_semaphore, #tpu.memory_space<semaphore_mem>>)
    %dma_wait3A = arith.constant 0 : i32
    %dma_wait3A_7 = tpu.memref_slice %arg5[%dma_wait3A] : memref<1024xi32, #tpu.memory_space<vmem>> -> memref<64xi32, #tpu.memory_space<vmem>>
    %dma_wait3A_8 = arith.constant 0 : i32
    %dma_wait3A_9 = arith.constant 0 : i32
    %dma_wait3A_10 = tpu.memref_slice %arg3[%dma_wait3A_8, %dma_wait3A_9] : memref<1000000x768xf32, #tpu.memory_space<hbm>> -> memref<1000000x768xf32, #tpu.memory_space<hbm>>
    tpu.wait_indirect_dma semaphore(%arg8 : memref<!tpu.dma_semaphore, #tpu.memory_space<semaphore_mem>>) src(%dma_wait3A_10 : memref<1000000x768xf32, #tpu.memory_space<hbm>>) dst(%arg6 : memref<64x768xf32, #tpu.memory_space<vmem>>)
    %add3A_11 = arith.constant 0 : i32
    %add3A_12 = arith.addi %mul3A_2, %add3A_11 : i32
    %dma_start3A_13 = arith.constant 0 : i32
    %dma_start3A_14 = tpu.memref_slice %arg4[%add3A_12, %dma_start3A_13] : memref<32768x768xf32, #tpu.memory_space<hbm>> -> memref<64x768xf32, #tpu.memory_space<hbm>>
    %dma_start3A_15 = arith.constant 0 : i32
    %dma_start3A_16 = tpu.memref_slice %arg4[%add3A_12, %dma_start3A_15] : memref<32768x768xf32, #tpu.memory_space<hbm>> -> memref<64x768xf32, #tpu.memory_space<hbm>>
    tpu.enqueue_dma source(%arg6 : memref<64x768xf32, #tpu.memory_space<vmem>>) target(%dma_start3A_16 : memref<64x768xf32, #tpu.memory_space<hbm>>) target_semaphore(%arg10 : memref<!tpu.dma_semaphore, #tpu.memory_space<semaphore_mem>>)
    %add3A_17 = arith.constant 64 : i32
    %add3A_18 = arith.addi %mul3A_2, %add3A_17 : i32
    %dma_start3A_19 = arith.constant 0 : i32
    %dma_start3A_20 = tpu.memref_slice %arg4[%add3A_18, %dma_start3A_19] : memref<32768x768xf32, #tpu.memory_space<hbm>> -> memref<64x768xf32, #tpu.memory_space<hbm>>
    %dma_start3A_21 = arith.constant 0 : i32
    %dma_start3A_22 = tpu.memref_slice %arg4[%add3A_18, %dma_start3A_21] : memref<32768x768xf32, #tpu.memory_space<hbm>> -> memref<64x768xf32, #tpu.memory_space<hbm>>
    tpu.enqueue_dma source(%arg7 : memref<64x768xf32, #tpu.memory_space<vmem>>) target(%dma_start3A_22 : memref<64x768xf32, #tpu.memory_space<hbm>>) target_semaphore(%arg11 : memref<!tpu.dma_semaphore, #tpu.memory_space<semaphore_mem>>)
    %dma_wait3A_23 = arith.constant 0 : i32
    %dma_wait3A_24 = tpu.memref_slice %arg4[%add3A_12, %dma_wait3A_23] : memref<32768x768xf32, #tpu.memory_space<hbm>> -> memref<64x768xf32, #tpu.memory_space<hbm>>
    %dma_wait3A_25 = arith.constant 0 : i32
    %dma_wait3A_26 = tpu.memref_slice %arg4[%add3A_12, %dma_wait3A_25] : memref<32768x768xf32, #tpu.memory_space<hbm>> -> memref<64x768xf32, #tpu.memory_space<hbm>>
    tpu.wait_dma2 semaphore(%arg10 : memref<!tpu.dma_semaphore, #tpu.memory_space<semaphore_mem>>) src(%arg6 : memref<64x768xf32, #tpu.memory_space<vmem>>) dst(%dma_wait3A_26 : memref<64x768xf32, #tpu.memory_space<hbm>>)
    %add3A_27 = arith.constant 128 : i32
    %add3A_28 = arith.addi %mul3A_2, %add3A_27 : i32
    %dma_start3A_29 = arith.constant 0 : i32
    %dma_start3A_30 = tpu.memref_slice %arg4[%add3A_28, %dma_start3A_29] : memref<32768x768xf32, #tpu.memory_space<hbm>> -> memref<64x768xf32, #tpu.memory_space<hbm>>
    %dma_start3A_31 = arith.constant 0 : i32
    %dma_start3A_32 = tpu.memref_slice %arg4[%add3A_28, %dma_start3A_31] : memref<32768x768xf32, #tpu.memory_space<hbm>> -> memref<64x768xf32, #tpu.memory_space<hbm>>
    tpu.enqueue_dma source(%arg6 : memref<64x768xf32, #tpu.memory_space<vmem>>) target(%dma_start3A_32 : memref<64x768xf32, #tpu.memory_space<hbm>>) target_semaphore(%arg10 : memref<!tpu.dma_semaphore, #tpu.memory_space<semaphore_mem>>)
    %dma_wait3A_33 = arith.constant 0 : i32
    %dma_wait3A_34 = tpu.memref_slice %arg4[%add3A_18, %dma_wait3A_33] : memref<32768x768xf32, #tpu.memory_space<hbm>> -> memref<64x768xf32, #tpu.memory_space<hbm>>
    %dma_wait3A_35 = arith.constant 0 : i32
    %dma_wait3A_36 = tpu.memref_slice %arg4[%add3A_18, %dma_wait3A_35] : memref<32768x768xf32, #tpu.memory_space<hbm>> -> memref<64x768xf32, #tpu.memory_space<hbm>>
    tpu.wait_dma2 semaphore(%arg11 : memref<!tpu.dma_semaphore, #tpu.memory_space<semaphore_mem>>) src(%arg7 : memref<64x768xf32, #tpu.memory_space<vmem>>) dst(%dma_wait3A_36 : memref<64x768xf32, #tpu.memory_space<hbm>>)
    %add3A_37 = arith.constant 192 : i32
    %add3A_38 = arith.addi %mul3A_2, %add3A_37 : i32
    %dma_start3A_39 = arith.constant 0 : i32
    %dma_start3A_40 = tpu.memref_slice %arg4[%add3A_38, %dma_start3A_39] : memref<32768x768xf32, #tpu.memory_space<hbm>> -> memref<64x768xf32, #tpu.memory_space<hbm>>
    %dma_start3A_41 = arith.constant 0 : i32
    %dma_start3A_42 = tpu.memref_slice %arg4[%add3A_38, %dma_start3A_41] : memref<32768x768xf32, #tpu.memory_space<hbm>> -> memref<64x768xf32, #tpu.memory_space<hbm>>
    tpu.enqueue_dma source(%arg7 : memref<64x768xf32, #tpu.memory_space<vmem>>) target(%dma_start3A_42 : memref<64x768xf32, #tpu.memory_space<hbm>>) target_semaphore(%arg11 : memref<!tpu.dma_semaphore, #tpu.memory_space<semaphore_mem>>)
    %dma_wait3A_43 = arith.constant 0 : i32
    %dma_wait3A_44 = tpu.memref_slice %arg4[%add3A_28, %dma_wait3A_43] : memref<32768x768xf32, #tpu.memory_space<hbm>> -> memref<64x768xf32, #tpu.memory_space<hbm>>
    %dma_wait3A_45 = arith.constant 0 : i32
    %dma_wait3A_46 = tpu.memref_slice %arg4[%add3A_28, %dma_wait3A_45] : memref<32768x768xf32, #tpu.memory_space<hbm>> -> memref<64x768xf32, #tpu.memory_space<hbm>>
    tpu.wait_dma2 semaphore(%arg10 : memref<!tpu.dma_semaphore, #tpu.memory_space<semaphore_mem>>) src(%arg6 : memref<64x768xf32, #tpu.memory_space<vmem>>) dst(%dma_wait3A_46 : memref<64x768xf32, #tpu.memory_space<hbm>>)
    %add3A_47 = arith.constant 256 : i32
    %add3A_48 = arith.addi %mul3A_2, %add3A_47 : i32
    %dma_start3A_49 = arith.constant 0 : i32
    %dma_start3A_50 = tpu.memref_slice %arg4[%add3A_48, %dma_start3A_49] : memref<32768x768xf32, #tpu.memory_space<hbm>> -> memref<64x768xf32, #tpu.memory_space<hbm>>
    %dma_start3A_51 = arith.constant 0 : i32
    %dma_start3A_52 = tpu.memref_slice %arg4[%add3A_48, %dma_start3A_51] : memref<32768x768xf32, #tpu.memory_space<hbm>> -> memref<64x768xf32, #tpu.memory_space<hbm>>
    tpu.enqueue_dma source(%arg6 : memref<64x768xf32, #tpu.memory_space<vmem>>) target(%dma_start3A_52 : memref<64x768xf32, #tpu.memory_space<hbm>>) target_semaphore(%arg10 : memref<!tpu.dma_semaphore, #tpu.memory_space<semaphore_mem>>)
    %dma_wait3A_53 = arith.constant 0 : i32
    %dma_wait3A_54 = tpu.memref_slice %arg4[%add3A_38, %dma_wait3A_53] : memref<32768x768xf32, #tpu.memory_space<hbm>> -> memref<64x768xf32, #tpu.memory_space<hbm>>
    %dma_wait3A_55 = arith.constant 0 : i32
    %dma_wait3A_56 = tpu.memref_slice %arg4[%add3A_38, %dma_wait3A_55] : memref<32768x768xf32, #tpu.memory_space<hbm>> -> memref<64x768xf32, #tpu.memory_space<hbm>>
    tpu.wait_dma2 semaphore(%arg11 : memref<!tpu.dma_semaphore, #tpu.memory_space<semaphore_mem>>) src(%arg7 : memref<64x768xf32, #tpu.memory_space<vmem>>) dst(%dma_wait3A_56 : memref<64x768xf32, #tpu.memory_space<hbm>>)
    %add3A_57 = arith.constant 320 : i32
    %add3A_58 = arith.addi %mul3A_2, %add3A_57 : i32
    %dma_start3A_59 = arith.constant 0 : i32
    %dma_start3A_60 = tpu.memref_slice %arg4[%add3A_58, %dma_start3A_59] : memref<32768x768xf32, #tpu.memory_space<hbm>> -> memref<64x768xf32, #tpu.memory_space<hbm>>
    %dma_start3A_61 = arith.constant 0 : i32
    %dma_start3A_62 = tpu.memref_slice %arg4[%add3A_58, %dma_start3A_61] : memref<32768x768xf32, #tpu.memory_space<hbm>> -> memref<64x768xf32, #tpu.memory_space<hbm>>
    tpu.enqueue_dma source(%arg7 : memref<64x768xf32, #tpu.memory_space<vmem>>) target(%dma_start3A_62 : memref<64x768xf32, #tpu.memory_space<hbm>>) target_semaphore(%arg11 : memref<!tpu.dma_semaphore, #tpu.memory_space<semaphore_mem>>)
    %dma_wait3A_63 = arith.constant 0 : i32
    %dma_wait3A_64 = tpu.memref_slice %arg4[%add3A_48, %dma_wait3A_63] : memref<32768x768xf32, #tpu.memory_space<hbm>> -> memref<64x768xf32, #tpu.memory_space<hbm>>
    %dma_wait3A_65 = arith.constant 0 : i32
    %dma_wait3A_66 = tpu.memref_slice %arg4[%add3A_48, %dma_wait3A_65] : memref<32768x768xf32, #tpu.memory_space<hbm>> -> memref<64x768xf32, #tpu.memory_space<hbm>>
    tpu.wait_dma2 semaphore(%arg10 : memref<!tpu.dma_semaphore, #tpu.memory_space<semaphore_mem>>) src(%arg6 : memref<64x768xf32, #tpu.memory_space<vmem>>) dst(%dma_wait3A_66 : memref<64x768xf32, #tpu.memory_space<hbm>>)
    %add3A_67 = arith.constant 384 : i32
    %add3A_68 = arith.addi %mul3A_2, %add3A_67 : i32
    %dma_start3A_69 = arith.constant 0 : i32
    %dma_start3A_70 = tpu.memref_slice %arg4[%add3A_68, %dma_start3A_69] : memref<32768x768xf32, #tpu.memory_space<hbm>> -> memref<64x768xf32, #tpu.memory_space<hbm>>
    %dma_start3A_71 = arith.constant 0 : i32
    %dma_start3A_72 = tpu.memref_slice %arg4[%add3A_68, %dma_start3A_71] : memref<32768x768xf32, #tpu.memory_space<hbm>> -> memref<64x768xf32, #tpu.memory_space<hbm>>
    tpu.enqueue_dma source(%arg6 : memref<64x768xf32, #tpu.memory_space<vmem>>) target(%dma_start3A_72 : memref<64x768xf32, #tpu.memory_space<hbm>>) target_semaphore(%arg10 : memref<!tpu.dma_semaphore, #tpu.memory_space<semaphore_mem>>)
    %dma_wait3A_73 = arith.constant 0 : i32
    %dma_wait3A_74 = tpu.memref_slice %arg4[%add3A_58, %dma_wait3A_73] : memref<32768x768xf32, #tpu.memory_space<hbm>> -> memref<64x768xf32, #tpu.memory_space<hbm>>
    %dma_wait3A_75 = arith.constant 0 : i32
    %dma_wait3A_76 = tpu.memref_slice %arg4[%add3A_58, %dma_wait3A_75] : memref<32768x768xf32, #tpu.memory_space<hbm>> -> memref<64x768xf32, #tpu.memory_space<hbm>>
    tpu.wait_dma2 semaphore(%arg11 : memref<!tpu.dma_semaphore, #tpu.memory_space<semaphore_mem>>) src(%arg7 : memref<64x768xf32, #tpu.memory_space<vmem>>) dst(%dma_wait3A_76 : memref<64x768xf32, #tpu.memory_space<hbm>>)
    %add3A_77 = arith.constant 448 : i32
    %add3A_78 = arith.addi %mul3A_2, %add3A_77 : i32
    %dma_start3A_79 = arith.constant 0 : i32
    %dma_start3A_80 = tpu.memref_slice %arg4[%add3A_78, %dma_start3A_79] : memref<32768x768xf32, #tpu.memory_space<hbm>> -> memref<64x768xf32, #tpu.memory_space<hbm>>
    %dma_start3A_81 = arith.constant 0 : i32
    %dma_start3A_82 = tpu.memref_slice %arg4[%add3A_78, %dma_start3A_81] : memref<32768x768xf32, #tpu.memory_space<hbm>> -> memref<64x768xf32, #tpu.memory_space<hbm>>
    tpu.enqueue_dma source(%arg7 : memref<64x768xf32, #tpu.memory_space<vmem>>) target(%dma_start3A_82 : memref<64x768xf32, #tpu.memory_space<hbm>>) target_semaphore(%arg11 : memref<!tpu.dma_semaphore, #tpu.memory_space<semaphore_mem>>)
    %dma_wait3A_83 = arith.constant 0 : i32
    %dma_wait3A_84 = tpu.memref_slice %arg4[%add3A_68, %dma_wait3A_83] : memref<32768x768xf32, #tpu.memory_space<hbm>> -> memref<64x768xf32, #tpu.memory_space<hbm>>
    %dma_wait3A_85 = arith.constant 0 : i32
    %dma_wait3A_86 = tpu.memref_slice %arg4[%add3A_68, %dma_wait3A_85] : memref<32768x768xf32, #tpu.memory_space<hbm>> -> memref<64x768xf32, #tpu.memory_space<hbm>>
    tpu.wait_dma2 semaphore(%arg10 : memref<!tpu.dma_semaphore, #tpu.memory_space<semaphore_mem>>) src(%arg6 : memref<64x768xf32, #tpu.memory_space<vmem>>) dst(%dma_wait3A_86 : memref<64x768xf32, #tpu.memory_space<hbm>>)
    %add3A_87 = arith.constant 512 : i32
    %add3A_88 = arith.addi %mul3A_2, %add3A_87 : i32
    %dma_start3A_89 = arith.constant 0 : i32
    %dma_start3A_90 = tpu.memref_slice %arg4[%add3A_88, %dma_start3A_89] : memref<32768x768xf32, #tpu.memory_space<hbm>> -> memref<64x768xf32, #tpu.memory_space<hbm>>
    %dma_start3A_91 = arith.constant 0 : i32
    %dma_start3A_92 = tpu.memref_slice %arg4[%add3A_88, %dma_start3A_91] : memref<32768x768xf32, #tpu.memory_space<hbm>> -> memref<64x768xf32, #tpu.memory_space<hbm>>
    tpu.enqueue_dma source(%arg6 : memref<64x768xf32, #tpu.memory_space<vmem>>) target(%dma_start3A_92 : memref<64x768xf32, #tpu.memory_space<hbm>>) target_semaphore(%arg10 : memref<!tpu.dma_semaphore, #tpu.memory_space<semaphore_mem>>)
    %dma_wait3A_93 = arith.constant 0 : i32
    %dma_wait3A_94 = tpu.memref_slice %arg4[%add3A_78, %dma_wait3A_93] : memref<32768x768xf32, #tpu.memory_space<hbm>> -> memref<64x768xf32, #tpu.memory_space<hbm>>
    %dma_wait3A_95 = arith.constant 0 : i32
    %dma_wait3A_96 = tpu.memref_slice %arg4[%add3A_78, %dma_wait3A_95] : memref<32768x768xf32, #tpu.memory_space<hbm>> -> memref<64x768xf32, #tpu.memory_space<hbm>>
    tpu.wait_dma2 semaphore(%arg11 : memref<!tpu.dma_semaphore, #tpu.memory_space<semaphore_mem>>) src(%arg7 : memref<64x768xf32, #tpu.memory_space<vmem>>) dst(%dma_wait3A_96 : memref<64x768xf32, #tpu.memory_space<hbm>>)
    %add3A_97 = arith.constant 576 : i32
    %add3A_98 = arith.addi %mul3A_2, %add3A_97 : i32
    %dma_start3A_99 = arith.constant 0 : i32
    %dma_start3A_100 = tpu.memref_slice %arg4[%add3A_98, %dma_start3A_99] : memref<32768x768xf32, #tpu.memory_space<hbm>> -> memref<64x768xf32, #tpu.memory_space<hbm>>
    %dma_start3A_101 = arith.constant 0 : i32
    %dma_start3A_102 = tpu.memref_slice %arg4[%add3A_98, %dma_start3A_101] : memref<32768x768xf32, #tpu.memory_space<hbm>> -> memref<64x768xf32, #tpu.memory_space<hbm>>
    tpu.enqueue_dma source(%arg7 : memref<64x768xf32, #tpu.memory_space<vmem>>) target(%dma_start3A_102 : memref<64x768xf32, #tpu.memory_space<hbm>>) target_semaphore(%arg11 : memref<!tpu.dma_semaphore, #tpu.memory_space<semaphore_mem>>)
    %dma_wait3A_103 = arith.constant 0 : i32
    %dma_wait3A_104 = tpu.memref_slice %arg4[%add3A_88, %dma_wait3A_103] : memref<32768x768xf32, #tpu.memory_space<hbm>> -> memref<64x768xf32, #tpu.memory_space<hbm>>
    %dma_wait3A_105 = arith.constant 0 : i32
    %dma_wait3A_106 = tpu.memref_slice %arg4[%add3A_88, %dma_wait3A_105] : memref<32768x768xf32, #tpu.memory_space<hbm>> -> memref<64x768xf32, #tpu.memory_space<hbm>>
    tpu.wait_dma2 semaphore(%arg10 : memref<!tpu.dma_semaphore, #tpu.memory_space<semaphore_mem>>) src(%arg6 : memref<64x768xf32, #tpu.memory_space<vmem>>) dst(%dma_wait3A_106 : memref<64x768xf32, #tpu.memory_space<hbm>>)
    %add3A_107 = arith.constant 640 : i32
    %add3A_108 = arith.addi %mul3A_2, %add3A_107 : i32
    %dma_start3A_109 = arith.constant 0 : i32
    %dma_start3A_110 = tpu.memref_slice %arg4[%add3A_108, %dma_start3A_109] : memref<32768x768xf32, #tpu.memory_space<hbm>> -> memref<64x768xf32, #tpu.memory_space<hbm>>
    %dma_start3A_111 = arith.constant 0 : i32
    %dma_start3A_112 = tpu.memref_slice %arg4[%add3A_108, %dma_start3A_111] : memref<32768x768xf32, #tpu.memory_space<hbm>> -> memref<64x768xf32, #tpu.memory_space<hbm>>
    tpu.enqueue_dma source(%arg6 : memref<64x768xf32, #tpu.memory_space<vmem>>) target(%dma_start3A_112 : memref<64x768xf32, #tpu.memory_space<hbm>>) target_semaphore(%arg10 : memref<!tpu.dma_semaphore, #tpu.memory_space<semaphore_mem>>)
    %dma_wait3A_113 = arith.constant 0 : i32
    %dma_wait3A_114 = tpu.memref_slice %arg4[%add3A_98, %dma_wait3A_113] : memref<32768x768xf32, #tpu.memory_space<hbm>> -> memref<64x768xf32, #tpu.memory_space<hbm>>
    %dma_wait3A_115 = arith.constant 0 : i32
    %dma_wait3A_116 = tpu.memref_slice %arg4[%add3A_98, %dma_wait3A_115] : memref<32768x768xf32, #tpu.memory_space<hbm>> -> memref<64x768xf32, #tpu.memory_space<hbm>>
    tpu.wait_dma2 semaphore(%arg11 : memref<!tpu.dma_semaphore, #tpu.memory_space<semaphore_mem>>) src(%arg7 : memref<64x768xf32, #tpu.memory_space<vmem>>) dst(%dma_wait3A_116 : memref<64x768xf32, #tpu.memory_space<hbm>>)
    %add3A_117 = arith.constant 704 : i32
    %add3A_118 = arith.addi %mul3A_2, %add3A_117 : i32
    %dma_start3A_119 = arith.constant 0 : i32
    %dma_start3A_120 = tpu.memref_slice %arg4[%add3A_118, %dma_start3A_119] : memref<32768x768xf32, #tpu.memory_space<hbm>> -> memref<64x768xf32, #tpu.memory_space<hbm>>
    %dma_start3A_121 = arith.constant 0 : i32
    %dma_start3A_122 = tpu.memref_slice %arg4[%add3A_118, %dma_start3A_121] : memref<32768x768xf32, #tpu.memory_space<hbm>> -> memref<64x768xf32, #tpu.memory_space<hbm>>
    tpu.enqueue_dma source(%arg7 : memref<64x768xf32, #tpu.memory_space<vmem>>) target(%dma_start3A_122 : memref<64x768xf32, #tpu.memory_space<hbm>>) target_semaphore(%arg11 : memref<!tpu.dma_semaphore, #tpu.memory_space<semaphore_mem>>)
    %dma_wait3A_123 = arith.constant 0 : i32
    %dma_wait3A_124 = tpu.memref_slice %arg4[%add3A_108, %dma_wait3A_123] : memref<32768x768xf32, #tpu.memory_space<hbm>> -> memref<64x768xf32, #tpu.memory_space<hbm>>
    %dma_wait3A_125 = arith.constant 0 : i32
    %dma_wait3A_126 = tpu.memref_slice %arg4[%add3A_108, %dma_wait3A_125] : memref<32768x768xf32, #tpu.memory_space<hbm>> -> memref<64x768xf32, #tpu.memory_space<hbm>>
    tpu.wait_dma2 semaphore(%arg10 : memref<!tpu.dma_semaphore, #tpu.memory_space<semaphore_mem>>) src(%arg6 : memref<64x768xf32, #tpu.memory_space<vmem>>) dst(%dma_wait3A_126 : memref<64x768xf32, #tpu.memory_space<hbm>>)
    %add3A_127 = arith.constant 768 : i32
    %add3A_128 = arith.addi %mul3A_2, %add3A_127 : i32
    %dma_start3A_129 = arith.constant 0 : i32
    %dma_start3A_130 = tpu.memref_slice %arg4[%add3A_128, %dma_start3A_129] : memref<32768x768xf32, #tpu.memory_space<hbm>> -> memref<64x768xf32, #tpu.memory_space<hbm>>
    %dma_start3A_131 = arith.constant 0 : i32
    %dma_start3A_132 = tpu.memref_slice %arg4[%add3A_128, %dma_start3A_131] : memref<32768x768xf32, #tpu.memory_space<hbm>> -> memref<64x768xf32, #tpu.memory_space<hbm>>
    tpu.enqueue_dma source(%arg6 : memref<64x768xf32, #tpu.memory_space<vmem>>) target(%dma_start3A_132 : memref<64x768xf32, #tpu.memory_space<hbm>>) target_semaphore(%arg10 : memref<!tpu.dma_semaphore, #tpu.memory_space<semaphore_mem>>)
    %dma_wait3A_133 = arith.constant 0 : i32
    %dma_wait3A_134 = tpu.memref_slice %arg4[%add3A_118, %dma_wait3A_133] : memref<32768x768xf32, #tpu.memory_space<hbm>> -> memref<64x768xf32, #tpu.memory_space<hbm>>
    %dma_wait3A_135 = arith.constant 0 : i32
    %dma_wait3A_136 = tpu.memref_slice %arg4[%add3A_118, %dma_wait3A_135] : memref<32768x768xf32, #tpu.memory_space<hbm>> -> memref<64x768xf32, #tpu.memory_space<hbm>>
    tpu.wait_dma2 semaphore(%arg11 : memref<!tpu.dma_semaphore, #tpu.memory_space<semaphore_mem>>) src(%arg7 : memref<64x768xf32, #tpu.memory_space<vmem>>) dst(%dma_wait3A_136 : memref<64x768xf32, #tpu.memory_space<hbm>>)
    %add3A_137 = arith.constant 832 : i32
    %add3A_138 = arith.addi %mul3A_2, %add3A_137 : i32
    %dma_start3A_139 = arith.constant 0 : i32
    %dma_start3A_140 = tpu.memref_slice %arg4[%add3A_138, %dma_start3A_139] : memref<32768x768xf32, #tpu.memory_space<hbm>> -> memref<64x768xf32, #tpu.memory_space<hbm>>
    %dma_start3A_141 = arith.constant 0 : i32
    %dma_start3A_142 = tpu.memref_slice %arg4[%add3A_138, %dma_start3A_141] : memref<32768x768xf32, #tpu.memory_space<hbm>> -> memref<64x768xf32, #tpu.memory_space<hbm>>
    tpu.enqueue_dma source(%arg7 : memref<64x768xf32, #tpu.memory_space<vmem>>) target(%dma_start3A_142 : memref<64x768xf32, #tpu.memory_space<hbm>>) target_semaphore(%arg11 : memref<!tpu.dma_semaphore, #tpu.memory_space<semaphore_mem>>)
    %dma_wait3A_143 = arith.constant 0 : i32
    %dma_wait3A_144 = tpu.memref_slice %arg4[%add3A_128, %dma_wait3A_143] : memref<32768x768xf32, #tpu.memory_space<hbm>> -> memref<64x768xf32, #tpu.memory_space<hbm>>
    %dma_wait3A_145 = arith.constant 0 : i32
    %dma_wait3A_146 = tpu.memref_slice %arg4[%add3A_128, %dma_wait3A_145] : memref<32768x768xf32, #tpu.memory_space<hbm>> -> memref<64x768xf32, #tpu.memory_space<hbm>>
    tpu.wait_dma2 semaphore(%arg10 : memref<!tpu.dma_semaphore, #tpu.memory_space<semaphore_mem>>) src(%arg6 : memref<64x768xf32, #tpu.memory_space<vmem>>) dst(%dma_wait3A_146 : memref<64x768xf32, #tpu.memory_space<hbm>>)
    %add3A_147 = arith.constant 896 : i32
    %add3A_148 = arith.addi %mul3A_2, %add3A_147 : i32
    %dma_start3A_149 = arith.constant 0 : i32
    %dma_start3A_150 = tpu.memref_slice %arg4[%add3A_148, %dma_start3A_149] : memref<32768x768xf32, #tpu.memory_space<hbm>> -> memref<64x768xf32, #tpu.memory_space<hbm>>
    %dma_start3A_151 = arith.constant 0 : i32
    %dma_start3A_152 = tpu.memref_slice %arg4[%add3A_148, %dma_start3A_151] : memref<32768x768xf32, #tpu.memory_space<hbm>> -> memref<64x768xf32, #tpu.memory_space<hbm>>
    tpu.enqueue_dma source(%arg6 : memref<64x768xf32, #tpu.memory_space<vmem>>) target(%dma_start3A_152 : memref<64x768xf32, #tpu.memory_space<hbm>>) target_semaphore(%arg10 : memref<!tpu.dma_semaphore, #tpu.memory_space<semaphore_mem>>)
    %dma_wait3A_153 = arith.constant 0 : i32
    %dma_wait3A_154 = tpu.memref_slice %arg4[%add3A_138, %dma_wait3A_153] : memref<32768x768xf32, #tpu.memory_space<hbm>> -> memref<64x768xf32, #tpu.memory_space<hbm>>
    %dma_wait3A_155 = arith.constant 0 : i32
    %dma_wait3A_156 = tpu.memref_slice %arg4[%add3A_138, %dma_wait3A_155] : memref<32768x768xf32, #tpu.memory_space<hbm>> -> memref<64x768xf32, #tpu.memory_space<hbm>>
    tpu.wait_dma2 semaphore(%arg11 : memref<!tpu.dma_semaphore, #tpu.memory_space<semaphore_mem>>) src(%arg7 : memref<64x768xf32, #tpu.memory_space<vmem>>) dst(%dma_wait3A_156 : memref<64x768xf32, #tpu.memory_space<hbm>>)
    %add3A_157 = arith.constant 960 : i32
    %add3A_158 = arith.addi %mul3A_2, %add3A_157 : i32
    %dma_start3A_159 = arith.constant 0 : i32
    %dma_start3A_160 = tpu.memref_slice %arg4[%add3A_158, %dma_start3A_159] : memref<32768x768xf32, #tpu.memory_space<hbm>> -> memref<64x768xf32, #tpu.memory_space<hbm>>
    %dma_start3A_161 = arith.constant 0 : i32
    %dma_start3A_162 = tpu.memref_slice %arg4[%add3A_158, %dma_start3A_161] : memref<32768x768xf32, #tpu.memory_space<hbm>> -> memref<64x768xf32, #tpu.memory_space<hbm>>
    tpu.enqueue_dma source(%arg7 : memref<64x768xf32, #tpu.memory_space<vmem>>) target(%dma_start3A_162 : memref<64x768xf32, #tpu.memory_space<hbm>>) target_semaphore(%arg11 : memref<!tpu.dma_semaphore, #tpu.memory_space<semaphore_mem>>)
    %dma_wait3A_163 = arith.constant 0 : i32
    %dma_wait3A_164 = tpu.memref_slice %arg4[%add3A_148, %dma_wait3A_163] : memref<32768x768xf32, #tpu.memory_space<hbm>> -> memref<64x768xf32, #tpu.memory_space<hbm>>
    %dma_wait3A_165 = arith.constant 0 : i32
    %dma_wait3A_166 = tpu.memref_slice %arg4[%add3A_148, %dma_wait3A_165] : memref<32768x768xf32, #tpu.memory_space<hbm>> -> memref<64x768xf32, #tpu.memory_space<hbm>>
    tpu.wait_dma2 semaphore(%arg10 : memref<!tpu.dma_semaphore, #tpu.memory_space<semaphore_mem>>) src(%arg6 : memref<64x768xf32, #tpu.memory_space<vmem>>) dst(%dma_wait3A_166 : memref<64x768xf32, #tpu.memory_space<hbm>>)
    %dma_wait3A_167 = arith.constant 0 : i32
    %dma_wait3A_168 = tpu.memref_slice %arg4[%add3A_158, %dma_wait3A_167] : memref<32768x768xf32, #tpu.memory_space<hbm>> -> memref<64x768xf32, #tpu.memory_space<hbm>>
    %dma_wait3A_169 = arith.constant 0 : i32
    %dma_wait3A_170 = tpu.memref_slice %arg4[%add3A_158, %dma_wait3A_169] : memref<32768x768xf32, #tpu.memory_space<hbm>> -> memref<64x768xf32, #tpu.memory_space<hbm>>
    tpu.wait_dma2 semaphore(%arg11 : memref<!tpu.dma_semaphore, #tpu.memory_space<semaphore_mem>>) src(%arg7 : memref<64x768xf32, #tpu.memory_space<vmem>>) dst(%dma_wait3A_170 : memref<64x768xf32, #tpu.memory_space<hbm>>)
    return
  }
}

</mosaic_0001>

<sc_bundles>
// kernel: kernel.3.cloned.1.call-start
scs
__scs_entry_jumppad:
0x0: {  	(pc) =	sbr.rel $0x88, $3  }
0x1: {  	(tag) =	ssettag $0x0;
	lr =	simm.s32 $0x1  }
0x2: {  	[smem:$0x3F9F] =	sst lr;
	_ =	strace $0xD0000000  }
0x3: {  	_ = 	snop  }
0x4: {  	_ = 	snop  }
0x5: {  	_ = 	snop  }
0x6: {  	_ = 	snop  }
0x7: {  	_ = 	snop  }
__scs_overlays_trampoline_lowered:
0x8: {  	[smem:$0x3FAE] =	sst s0  }
0x9: {  	[smem:$0x3FAF] =	sst s1  }
0xa: {  	[smem:$0x3FB0] =	sst s2  }
0xb: {  	[smem:$0x3FB1] =	sst s3  }
0xc: {  	[smem:$0x3FB2] =	sst s4  }
0xd: {  	[smem:$0x3FB3] =	sst s5  }
0xe: {  	[smem:$0x3FB4] =	sst s6  }
0xf: {  	[smem:$0x3FB5] =	sst s7  }
0x10: {  	[smem:$0x3FB6] =	sst s8  }
0x11: {  	[smem:$0x3FB7] =	sst s9;
	s0 =	simm.s32 @!p0 $0x0  }
0x12: {  	s1 =	sld [smem:$0x3F9D];
	s0 =	simm.s32 @p0 $0x1  }
0x13: {  	[smem:$0x3FB8] =	sst s0;
	s0 =	simm.s32 @!p1 $0x0  }
0x14: {  	s2 =	sld [smem:$0x3F9C];
	s0 =	simm.s32 @p1 $0x1  }
0x15: {  	[smem:$0x3FB9] =	sst s0;
	s0 =	simm.s32 @!p2 $0x0  }
0x16: {  	s3 =	sld [smem:$0x3FDB];
	s0 =	simm.s32 @p2 $0x1  }
0x17: {  	s4 =	simm.s32 $0x1BF5;
	[smem:$0x3FBB] =	sst s0  }
0x18: {  	s0 =	sld [smem:$0x3F9E];
	_ =	swait.ge [sflag:s4], $0x0  }
0x19: {  	s7 =	sld [smem:$0x3F9F]  }
0x1a: {  	s8 =	sadd.s32 $0xFFFFE003, lr  }
0x1b: {  	s9 =	sadd.s32 $0xFFFFFEF7, lr;
	s5 =	simm.s32 $0xFFFFFFFF;
	p2 =	slt.u32 s8, $0xFFFFF086  }
0x1c: {  	p1 =	slt.u32 s9, $0xF7A;
	s5 =	simm.s32 @!p2 $0x0  }
0x1d: {  	s5 =	simm.s32 @p1 $0x1;
	p0 =	seq.s32 s7, s2  }
0x1e: {  	s7 =	smul.u32 @!p0 $0xF7A, s2;
	p2 =	seq.s32 @!p0 s5, $0x0  }
0x1f: {  	s9 =	smul.u32 $0xF7A, s1;
	s8 =	simm.s32 @!p0 $0x1BF5;
	p2 =	por !p2, p0  }
0x20: {  	[sflag:s8] =	ssyncset.s32 @!p0 $0xFFFFF086;
	s6 =	sadd.s32 @!p0 s3, s7;
	s7 =	simm.s32 @!p0 $0x108  }
0x21: {  	s3 =	sadd.s32 s3, s9;
	s6 =	sadd.s32 @!p0 $0x88, s6;
	s7 =	simm.s32 @p2 $0x1082  }
0x22: {  	[simem:s7], [sflag:s8] =	dma.local @!p0 [hbm:s6], $0xF7A  }
0x23: {  	s9 =	sor.u32 $0xD0000000, s2;
	s6 =	simm.s32 $0x108;
	_ =	swait.ge @!p0 [sflag:s8], $0x0  }
0x24: {  	s3 =	sadd.s32 $0x88, s3;
	s6 =	simm.s32 @!p1 $0x1082;
	[sflag:s4] =	ssyncset.s32 $0xFFFFF086  }
0x25: {  	[simem:s6], [sflag:s4] =	dma.local [hbm:s3], $0xF7A  }
0x26: {  	[smem:$0x3F9F] =	sst s1;
	(tag) =	ssettag s2;
	_ =	strace s9  }
0x27: {  	s1 =	sld [smem:$0x3FAF]  }
0x28: {  	s2 =	sld [smem:$0x3FB0]  }
0x29: {  	s4 =	sld [smem:$0x3FB2]  }
0x2a: {  	p0 =	seq.s32 s5, $0x0;
	s5 =	sld [smem:$0x3FB3]  }
0x2b: {  	s6 =	sld [smem:$0x3FB4]  }
0x2c: {  	s7 =	sld [smem:$0x3FB5]  }
0x2d: {  	s3 =	simm.s32 $0x108;
	s8 =	sld [smem:$0x3FB6]  }
0x2e: {  	s3 =	simm.s32 @!p0 $0x1082;
	s9 =	sld [smem:$0x3FB7]  }
0x2f: {  	lr =	sadd.s32 s0, s3;
	s0 =	sld [smem:$0x3FAE]  }
0x30: {  	s3 =	sld [smem:$0x3FB1]  }
0x31: {  	[smem:$0x3FBA] =	sst s10  }
0x32: {  	s10 =	sld [smem:$0x3FB8];
	_ =	sdelay $0x3  }
0x33: {  	p0 =	seq.s32 s10, $0x1;
	s10 =	sld [smem:$0x3FBA];
	_ =	sdelay $0x3  }
0x34: {  	[smem:$0x3FBA] =	sst s10  }
0x35: {  	s10 =	sld [smem:$0x3FB9];
	_ =	sdelay $0x3  }
0x36: {  	p1 =	seq.s32 s10, $0x1;
	s10 =	sld [smem:$0x3FBA];
	_ =	sdelay $0x3  }
0x37: {  	[smem:$0x3FBA] =	sst s10  }
0x38: {  	s10 =	sld [smem:$0x3FBB]  }
0x39: {  	_ = 	snop;
	(pc) =	sbr.ind lr, $3  }
0x3a: {  	_ = 	snop  }
0x3b: {  	_ = 	snop  }
0x3c: {  	p2 =	seq.s32 s10, $0x1;
	s10 =	sld [smem:$0x3FBA]  }
0x3d: {  	_ =	shalt  }
0x3e: {  	_ =	shalt  }
0x3f: {  	_ =	shalt  }
0x40: {  	_ =	shalt  }
0x41: {  	_ =	shalt  }
0x42: {  	_ =	shalt  }
0x43: {  	_ =	shalt  }
0x44: {  	_ =	shalt  }
0x45: {  	_ =	shalt  }
0x46: {  	_ =	shalt  }
0x47: {  	_ =	shalt  }
0x48: {  	_ =	shalt  }
0x49: {  	_ =	shalt  }
0x4a: {  	_ =	shalt  }
0x4b: {  	_ =	shalt  }
0x4c: {  	_ =	shalt  }
0x4d: {  	_ =	shalt  }
0x4e: {  	_ =	shalt  }
0x4f: {  	_ =	shalt  }
0x50: {  	_ =	shalt  }
0x51: {  	_ =	shalt  }
0x52: {  	_ =	shalt  }
0x53: {  	_ =	shalt  }
0x54: {  	_ =	shalt  }
0x55: {  	_ =	shalt  }
0x56: {  	_ =	shalt  }
0x57: {  	_ =	shalt  }
0x58: {  	_ =	shalt  }
0x59: {  	_ =	shalt  }
0x5a: {  	_ =	shalt  }
0x5b: {  	_ =	shalt  }
0x5c: {  	_ =	shalt  }
0x5d: {  	_ =	shalt  }
0x5e: {  	_ =	shalt  }
0x5f: {  	_ =	shalt  }
0x60: {  	_ =	shalt  }
0x61: {  	_ =	shalt  }
0x62: {  	_ =	shalt  }
0x63: {  	_ =	shalt  }
0x64: {  	_ =	shalt  }
0x65: {  	_ =	shalt  }
0x66: {  	_ =	shalt  }
0x67: {  	_ =	shalt  }
0x68: {  	_ =	shalt  }
0x69: {  	_ =	shalt  }
0x6a: {  	_ =	shalt  }
0x6b: {  	_ =	shalt  }
0x6c: {  	_ =	shalt  }
0x6d: {  	_ =	shalt  }
0x6e: {  	_ =	shalt  }
0x6f: {  	_ =	shalt  }
0x70: {  	_ =	shalt  }
0x71: {  	_ =	shalt  }
0x72: {  	_ =	shalt  }
0x73: {  	_ =	shalt  }
0x74: {  	_ =	shalt  }
0x75: {  	_ =	shalt  }
0x76: {  	_ =	shalt  }
0x77: {  	_ =	shalt  }
0x78: {  	_ =	shalt  }
0x79: {  	_ =	shalt  }
0x7a: {  	_ =	shalt  }
0x7b: {  	_ =	shalt  }
0x7c: {  	_ =	shalt  }
0x7d: {  	_ =	shalt  }
0x7e: {  	_ =	shalt  }
0x7f: {  	_ =	shalt  }
0x80: {  	_ =	shalt  }
0x81: {  	_ =	shalt  }
0x82: {  	_ =	shalt  }
0x83: {  	_ =	shalt  }
0x84: {  	_ =	shalt  }
0x85: {  	_ =	shalt  }
0x86: {  	_ =	shalt  }
0x87: {  	_ =	shalt  }
.Lfunc_end0:
.L_simem_size_0:
called_computation_lowered:
.L_overlay_start_0:
0x88: {  	s2 =	sld [smem:$0x3FD9]  }
0x89: {  	s3 =	sld [smem:$0x3FFE];
	_ =	sdelay $0x1  }
0x8a: {  	s1 =	srdreg.scid  }
0x8b: {  	s0 =	sand.u32 $0x1, s1  }
0x8c: {  	s17 =	sshll.u32 s0, $0xA;
	s2 =	sadd.s32 s3, s2  }
0x8d: {  	s2 =	sadd.s32 s2, s17  }
0x8e: {  	[smem:$0x3FC6] =	sst s2  }
0x8f: {  	_ = 	snop  }
0x90: {  	s2 =	sld [smem:$0x3FC8]  }
0x91: {  	s18 =	sld [smem:$0x3FD0];
	(tm) =	ssettm $0x1  }
0x92: {  	s4 =	sld [smem:$0x3FFB];
	_ =	sdelay $0x3  }
0x93: {  	_ =	strace s4  }
0x94: {  	s4 =	sld [smem:$0x3FFC];
	_ =	sdelay $0x3  }
0x95: {  	_ =	strace s4  }
0x96: {  	s4 =	sld [smem:$0x3FFD];
	_ =	sdelay $0x3  }
0x97: {  	_ =	strace s4  }
0x98: {  	_ =	strace $0x8FFFFFFF  }
0x99: {  	s19 =	sld [smem:$0x3FDB];
	_ =	sdelay $0x1  }
0x9a: {  	s5 =	simm.s32 $_scs_section_size  }
0x9b: {  	s6 =	simm.s32 $_size__tile_overlayer_lowered;
	s7 =	simm.s32 $_tile_overlayer_lowered  }
0x9c: {  	s22 =	simm.s32 $0x1BFF;
	s21 =	sshll.u32 s7, $0x1;
	s4 =	sadd.s32 s5, s19  }
0x9d: {  	s8 =	simm.s32 $0x0;
	s20 =	sshll.u32 s6, $0x1;
	s6 =	sadd.s32 s21, s4  }
0x9e: {  	[timem:s8], [sflag:s22] =	dma.local [hbm:s6], s20  }
0x9f: {  	_ =	swait.ge [sflag:s22], s20  }
0xa0: {  	s5 =	ssub.s32 $0x0, s20;
	[sflag:s22] =	ssyncset.done $0x0  }
0xa1: {  	[sflag:s22] =	ssyncadd.s32 s5;
	_ =	sdelay $0x1  }
0xa2: {  	s23 =	simm.s32 $0x1B8B  }
0xa3: {  	_ =	swait.ge [sflag:s23], $0x1  }
0xa4: {  	[sflag:s23] =	ssyncset.done $0x0  }
0xa5: {  	s25 =	simm.s32 $0x1B8E;
	s24 =	sld [smem:$0x3FFE];
	[sflag:s23] =	ssyncadd.s32 $0xFFFFFFFF  }
0xa6: {  	s26 =	simm.s32 $execute0_lowered;
	[smem:$0x3FD2] =	sst s25  }
0xa7: {  	s6 =	sshll.u32 s26, $0x1;
	_ =	strace $0x80000046;
	[dreg:$0x1] =	wrdreg $0xFFFFFFFF  }
0xa8: {  	s28 =	simm.s32 $_size_execute0_lowered;
	s4 =	sadd.s32 s4, s6;
	[dreg:$0x0] =	wrdreg $0x0  }
0xa9: {  	s6 =	sshll.u32 s28, $0x1;
	[dreg:$0x2] =	wrdreg s4  }
0xaa: {  	[dreg:$0x3] =	wrdreg s6  }
0xab: {  	[dreg:$0x4] =	wrdreg $0xC0  }
0xac: {  	_ =	task [dreg:s8], $0x5FFFF  }
0xad: {  	[dreg:$0x1] =	wrdreg $0xFFFFFFFF  }
0xae: {  	[dreg:$0x0] =	wrdreg $0x60  }
0xaf: {  	[dreg:$0x2] =	wrdreg s24  }
0xb0: {  	[dreg:$0x3] =	wrdreg s2  }
0xb1: {  	[dreg:$0x4] =	wrdreg s18  }
0xb2: {  	[dreg:$0x5] =	wrdreg $0x9  }
0xb3: {  	_ =	task.clear_ibuf [dreg:s8], $0x6FFFF;
	_ =	strace $0x90000046  }
0xb4: {  	s29 =	simm.s32 $0x9;
	_ =	strace $0x80000048  }
0xb5: {  	_ =	swait.ge [sflag:s29], $0x1  }
0xb6: {  	[sflag:s29] =	ssyncadd.s32 $0xFFFFFFFF  }
0xb7: {  	_ =	strace $0x90000048  }
0xb8: {  	_ =	sfence  }
0xb9: {  	s30 =	sld [smem:$0x0];
	_ =	sdelay $0x2  }
0xba: {  	s31 =	sshll.u32 s1, $0xD;
	s1 =	sshrl.u32 s1, $0x2  }
0xbb: {  	s3 =	sand.u32 $0x4000, s31;
	s1 =	sadd.s32 s1, s30  }
0xbc: {  	s0 =	sor.u32 s3, s0;
	s1 =	sshll.u32 s1, $0x11  }
0xbd: {  	s0 =	sor.u32 s1, s0  }
0xbe: {  	s0 =	sadd.s32 $0x8F2B, s0  }
0xbf: {  	[sflag:s0] =	ssyncadd.remote.s32 $0x1  }
0xc0: {  	_ =	sfence.sel $0xFFFF  }
0xc1: {  	[dreg:$0x0] =	wrdreg $0xFFFFFFFF;
	(pc) =	sbr.abs _section_cstart, $3  }
0xc2: {  	[dreg:$0x1] =	wrdreg $0xFFFFFFFF  }
0xc3: {  	_ =	task.clear_ibuf [dreg:s8], $0x2FFFF;
	_ =	strace $0x9FFFFFFF  }
0xc4: {  	(tm) =	ssettm $0x7FFFFFFF  }
0xc5: {  	_ =	shalt  }
tec
execute0_lowered:
.L_overlay_start_1:
0x0: {  	(tag) =	ssettag $0x1  }
0x1: {  	s4 =	rddreg [dreg:$0x0]  }
0x2: {  	s1 =	srdreg.scid;
	s2 =	rddreg [dreg:$0x1]  }
0x3: {  	s0 =	stileid.u32;
	s6 =	rddreg [dreg:$0x2]  }
0x4: {  	s22 =	simm.s32 $0xC00;
	s23 =	simm.s32 $0x1400;
	s1 =	sand.u32 $0x1, s1  }
0x5: {  	s24 =	simm.s32 $0x1C00;
	s3 =	sshll.u32 s0, $0x8;
	s5 =	sshll.u32 s1, $0x7  }
0x6: {  	s25 =	simm.s32 $0x2400;
	s5 =	sor.u32 s5, s3;
	s3 =	simm.s32 $0x0  }
0x7: {  	s26 =	simm.s32 $0x2C00;
	s28 =	simm.s32 $0xBC00;
	[smem:$0x7FF] =	sst s3  }
0x8: {  	s29 =	simm.s32 $0x1;
	_ =	strace $0x80000047;
	[dreg:$0x14] =	wrdreg s22  }
0x9: {  	s30 =	simm.s32 $0xC400;
	s31 =	simm.s32 $0x2;
	[dreg:$0x15] =	wrdreg s23  }
0xa: {  	s1 =	ssub.s32 $0x2, s1;
	s7 =	smul.u32 $0x300, s5;
	[dreg:$0x16] =	wrdreg s24  }
0xb: {  	s21 =	sshrl.u32 s1, $0x1;
	s4 =	sadd.s32 s5, s4;
	[dreg:$0x17] =	wrdreg s25  }
0xc: {  	s8 =	sadd.s32 $0x400, s4;
	[dreg:$0x18] =	wrdreg s26;
	s4 =	sadd.s32 s6, s7  }
0xd: {  	s5 =	smul.u32 $0x1800, s5;
	[dreg:$0x4] =	wrdreg s8;
	s7 =	sadd.s32 $0x1800, s4  }
0xe: {  	s1 =	ssub.s32 s1, s21;
	s9 =	sadd.s32 $0x3000, s4;
	[dreg:$0x5] =	wrdreg s7  }
0xf: {  	s21 =	simm.s32 $0x8C00;
	s10 =	sadd.s32 $0x4800, s4;
	[dreg:$0x6] =	wrdreg s9  }
0x10: {  	s5 =	sshrl.u32 s5, $0x3;
	s11 =	sadd.s32 $0x6000, s4;
	[dreg:$0x7] =	wrdreg s10  }
0x11: {  	s12 =	sadd.s32 $0x7800, s4;
	s5 =	sadd.s32 s6, s5;
	[dreg:$0x8] =	wrdreg s11  }
0x12: {  	s22 =	simm.s32 $0x9400;
	[dreg:$0x9] =	wrdreg s12;
	s6 =	sadd.s32 $0x9000, s5  }
0x13: {  	s23 =	simm.s32 $0x9C00;
	s13 =	sadd.s32 $0xA800, s5;
	[dreg:$0xa] =	wrdreg s6  }
0x14: {  	s24 =	simm.s32 $0xA400;
	s14 =	sadd.s32 $0xC000, s5;
	[dreg:$0xb] =	wrdreg s13  }
0x15: {  	s25 =	simm.s32 $0xAC00;
	s15 =	sadd.s32 $0xD800, s5;
	[dreg:$0xc] =	wrdreg s14  }
0x16: {  	s26 =	simm.s32 $0xB400;
	s16 =	sadd.s32 $0xF000, s5;
	[dreg:$0xd] =	wrdreg s15  }
0x17: {  	s8 =	simm.s32 $0x4;
	s17 =	sadd.s32 $0x10800, s5;
	[dreg:$0xe] =	wrdreg s16  }
0x18: {  	s18 =	sadd.s32 $0x12000, s5;
	s19 =	sadd.s32 $0x13800, s5;
	[dreg:$0xf] =	wrdreg s17  }
0x19: {  	s20 =	sadd.s32 $0x15000, s5;
	s5 =	sadd.s32 $0x16800, s5;
	[dreg:$0x10] =	wrdreg s18  }
0x1a: {  	s7 =	smax.u32 s1, $0x1;
	s9 =	simm.s32 $0x400;
	[dreg:$0x11] =	wrdreg s19  }
0x1b: {  	s11 =	simm.s32 $0x3C00;
	s12 =	simm.s32 $0x4400;
	[dreg:$0x12] =	wrdreg s20  }
0x1c: {  	s1 =	simm.s32 $0x3;
	[dreg:$0x13] =	wrdreg s5;
	s5 =	sadd.s32 $0x100, s2  }
0x1d: {  	v2 =	vlaneseq.u32;
	s6 =	sadd.s32 $0x200, s2;
	s13 =	simm.s32 $0x4C00;
	s14 =	simm.s32 $0x5400  }
0x1e: {  	vm0 =	vmmov $0xffff;
	v1 =	vshrl.u32 v2, $0x3;
	s15 =	simm.s32 $0x5C00;
	s16 =	simm.s32 $0x6400;
	s17 =	simm.s32 $0x6C00  }
0x1f: {  	v0 =	vand.u32 $0x7, v2;
	v2 =	vor.u32 $0x8, v2;
	v1 =	vmul.u32 $0x8, v1;
	s18 =	simm.s32 $0x7400;
	s19 =	simm.s32 $0x7C00;
	s20 =	simm.s32 $0x8400  }
.LBB2_1:
0x20: {  	s0 =	rddreg [dreg:$0x4]  }
0x21: {  	[tilespmem:s3], [sflag:$0x4] =	stream.linear.gather [hbm4b:s0+s3], $0x400, $0x38;
	[tilespmem:$0x18400] =	vst v63  }
0x22: {  	_ =	swait.ge [sflag:s8], $0x400  }
0x23: {  	[sflag:s8] =	ssyncset.done $0x0  }
0x24: {  	[sflag:s8] =	ssyncadd.s32 $0xFFFFFC00  }
0x25: {  	v3 =	vld [tilespmem:$0x0];
	_ =	sdelay $0x4  }
0x26: {  	v4 =	vshrl.u32 v3, $0x3  }
0x27: {  	v4 =	vmul.u32 $0x30, v4  }
0x28: {  	v3 =	vand.u32 $0x7, v3  }
0x29: {  	v3 =	vor.u32 v3, v4  }
0x2a: {  	v4 =	vperm.xlane v3, v0;
	_ =	sdelay $0x1  }
0x2b: {  	v4 =	vadd.s32 v1, v4;
	_ =	sdelay $0x3  }
0x2c: {  	v3 =	vperm.xlane v3, v2  }
0x2d: {  	[tilespmem:s9], [sflag:$0x1] =	stream.indirect_vreg.gather [hbm4b:s2+s3], $0x80, v4, vm0, $0xb8;
	[tilespmem:$0x18400] =	vst v63  }
0x2e: {  	s0 =	rddreg [dreg:$0x14];
	v3 =	vadd.s32 v1, v3  }
0x2f: {  	[tilespmem:s0], [sflag:$0x1] =	stream.indirect_vreg.gather [hbm4b:s5+s3], $0x80, v4, vm0, $0xb8;
	[tilespmem:$0x18400] =	vst v63  }
0x30: {  	s10 =	rddreg [dreg:$0x15]  }
0x31: {  	[tilespmem:s10], [sflag:$0x1] =	stream.indirect_vreg.gather [hbm4b:s6+s3], $0x80, v4, vm0, $0xb8;
	[tilespmem:$0x18400] =	vst v63  }
0x32: {  	s0 =	rddreg [dreg:$0x16]  }
0x33: {  	[tilespmem:s0], [sflag:$0x1] =	stream.indirect_vreg.gather [hbm4b:s2+s3], $0x80, v3, vm0, $0xb8;
	[tilespmem:$0x18400] =	vst v63  }
0x34: {  	s10 =	rddreg [dreg:$0x17]  }
0x35: {  	[tilespmem:s10], [sflag:$0x1] =	stream.indirect_vreg.gather [hbm4b:s5+s3], $0x80, v3, vm0, $0xb8;
	[tilespmem:$0x18400] =	vst v63  }
0x36: {  	s0 =	rddreg [dreg:$0x18]  }
0x37: {  	[tilespmem:s0], [sflag:$0x1] =	stream.indirect_vreg.gather [hbm4b:s6+s3], $0x80, v3, vm0, $0xb8;
	[tilespmem:$0x18400] =	vst v63  }
0x38: {  	v3 =	vld [tilespmem:$0x10];
	_ =	sdelay $0x4  }
0x39: {  	v61 =	vshrl.u32 v3, $0x3  }
0x3a: {  	v4 =	vmul.u32 $0x30, v61  }
0x3b: {  	v3 =	vand.u32 $0x7, v3  }
0x3c: {  	v3 =	vor.u32 v3, v4  }
0x3d: {  	v4 =	vperm.xlane v3, v0;
	_ =	sdelay $0x1  }
0x3e: {  	v4 =	vadd.s32 v1, v4;
	_ =	sdelay $0x3  }
0x3f: {  	s10 =	simm.s32 $0x3400;
	v3 =	vperm.xlane v3, v2  }
0x40: {  	[tilespmem:s10], [sflag:$0x1] =	stream.indirect_vreg.gather [hbm4b:s2+s3], $0x80, v4, vm0, $0xb8;
	[tilespmem:$0x18400] =	vst v63  }
0x41: {  	v3 =	vadd.s32 v1, v3  }
0x42: {  	[tilespmem:s11], [sflag:$0x1] =	stream.indirect_vreg.gather [hbm4b:s5+s3], $0x80, v4, vm0, $0xb8;
	[tilespmem:$0x18400] =	vst v63  }
0x43: {  	_ = 	snop  }
0x44: {  	[tilespmem:s12], [sflag:$0x1] =	stream.indirect_vreg.gather [hbm4b:s6+s3], $0x80, v4, vm0, $0xb8;
	[tilespmem:$0x18400] =	vst v63  }
0x45: {  	_ = 	snop  }
0x46: {  	[tilespmem:s13], [sflag:$0x1] =	stream.indirect_vreg.gather [hbm4b:s2+s3], $0x80, v3, vm0, $0xb8;
	[tilespmem:$0x18400] =	vst v63  }
0x47: {  	_ = 	snop  }
0x48: {  	[tilespmem:s14], [sflag:$0x1] =	stream.indirect_vreg.gather [hbm4b:s5+s3], $0x80, v3, vm0, $0xb8;
	[tilespmem:$0x18400] =	vst v63  }
0x49: {  	_ = 	snop  }
0x4a: {  	[tilespmem:s15], [sflag:$0x1] =	stream.indirect_vreg.gather [hbm4b:s6+s3], $0x80, v3, vm0, $0xb8;
	[tilespmem:$0x18400] =	vst v63  }
0x4b: {  	v3 =	vld [tilespmem:$0x20];
	_ =	sdelay $0x4  }
0x4c: {  	v62 =	vshrl.u32 v3, $0x3  }
0x4d: {  	v4 =	vmul.u32 $0x30, v62  }
0x4e: {  	v3 =	vand.u32 $0x7, v3  }
0x4f: {  	v3 =	vor.u32 v3, v4  }
0x50: {  	v4 =	vperm.xlane v3, v0;
	_ =	sdelay $0x1  }
0x51: {  	v4 =	vadd.s32 v1, v4;
	_ =	sdelay $0x3  }
0x52: {  	v3 =	vperm.xlane v3, v2  }
0x53: {  	[tilespmem:s16], [sflag:$0x1] =	stream.indirect_vreg.gather [hbm4b:s2+s3], $0x80, v4, vm0, $0xb8;
	[tilespmem:$0x18400] =	vst v63  }
0x54: {  	v3 =	vadd.s32 v1, v3  }
0x55: {  	[tilespmem:s17], [sflag:$0x1] =	stream.indirect_vreg.gather [hbm4b:s5+s3], $0x80, v4, vm0, $0xb8;
	[tilespmem:$0x18400] =	vst v63  }
0x56: {  	_ = 	snop  }
0x57: {  	[tilespmem:s18], [sflag:$0x1] =	stream.indirect_vreg.gather [hbm4b:s6+s3], $0x80, v4, vm0, $0xb8;
	[tilespmem:$0x18400] =	vst v63  }
0x58: {  	_ = 	snop  }
0x59: {  	[tilespmem:s19], [sflag:$0x1] =	stream.indirect_vreg.gather [hbm4b:s2+s3], $0x80, v3, vm0, $0xb8;
	[tilespmem:$0x18400] =	vst v63  }
0x5a: {  	_ = 	snop  }
0x5b: {  	[tilespmem:s20], [sflag:$0x1] =	stream.indirect_vreg.gather [hbm4b:s5+s3], $0x80, v3, vm0, $0xb8;
	[tilespmem:$0x18400] =	vst v63  }
0x5c: {  	_ = 	snop  }
0x5d: {  	[tilespmem:s21], [sflag:$0x1] =	stream.indirect_vreg.gather [hbm4b:s6+s3], $0x80, v3, vm0, $0xb8;
	[tilespmem:$0x18400] =	vst v63  }
0x5e: {  	v3 =	vld [tilespmem:$0x30];
	_ =	sdelay $0x4  }
0x5f: {  	v63 =	vshrl.u32 v3, $0x3  }
0x60: {  	v4 =	vmul.u32 $0x30, v63  }
0x61: {  	v3 =	vand.u32 $0x7, v3  }
0x62: {  	v3 =	vor.u32 v3, v4  }
0x63: {  	v4 =	vperm.xlane v3, v0;
	_ =	sdelay $0x1  }
0x64: {  	v4 =	vadd.s32 v1, v4;
	_ =	sdelay $0x3  }
0x65: {  	v3 =	vperm.xlane v3, v2  }
0x66: {  	[tilespmem:s22], [sflag:$0x1] =	stream.indirect_vreg.gather [hbm4b:s2+s3], $0x80, v4, vm0, $0xb8;
	[tilespmem:$0x18400] =	vst v63  }
0x67: {  	v3 =	vadd.s32 v1, v3  }
0x68: {  	[tilespmem:s23], [sflag:$0x1] =	stream.indirect_vreg.gather [hbm4b:s5+s3], $0x80, v4, vm0, $0xb8;
	[tilespmem:$0x18400] =	vst v63  }
0x69: {  	_ = 	snop  }
0x6a: {  	[tilespmem:s24], [sflag:$0x1] =	stream.indirect_vreg.gather [hbm4b:s6+s3], $0x80, v4, vm0, $0xb8;
	[tilespmem:$0x18400] =	vst v63  }
0x6b: {  	_ = 	snop  }
0x6c: {  	[tilespmem:s25], [sflag:$0x1] =	stream.indirect_vreg.gather [hbm4b:s2+s3], $0x80, v3, vm0, $0xb8;
	[tilespmem:$0x18400] =	vst v63  }
0x6d: {  	_ = 	snop  }
0x6e: {  	[tilespmem:s26], [sflag:$0x1] =	stream.indirect_vreg.gather [hbm4b:s5+s3], $0x80, v3, vm0, $0xb8;
	[tilespmem:$0x18400] =	vst v63  }
0x6f: {  	_ = 	snop  }
0x70: {  	[tilespmem:s28], [sflag:$0x1] =	stream.indirect_vreg.gather [hbm4b:s6+s3], $0x80, v3, vm0, $0xb8;
	[tilespmem:$0x18400] =	vst v63  }
0x71: {  	_ =	swait.ge [sflag:s29], $0xC000  }
0x72: {  	[sflag:s29] =	ssyncset.done $0x0  }
0x73: {  	[sflag:s29] =	ssyncadd.s32 $0xFFFF4000  }
0x74: {  	[hbm4b:s4+s3] =	stream.linear.scatter [tilespmem:s9], [sflag:$0x2], $0xC000, $0x38;
	[tilespmem:$0x18400] =	vst v63  }
0x75: {  	s10 =	rddreg [dreg:$0x5]  }
0x76: {  	[hbm4b:s10+s3] =	stream.linear.scatter [tilespmem:s30], [sflag:$0x3], $0xC000, $0x38;
	[tilespmem:$0x18400] =	vst v63  }
0x77: {  	_ =	swait.ge [sflag:s31], $0xC000  }
0x78: {  	[sflag:s31] =	ssyncset.done $0x0  }
0x79: {  	s10 =	rddreg [dreg:$0x6];
	[sflag:s31] =	ssyncadd.s32 $0xFFFF4000  }
0x7a: {  	[hbm4b:s10+s3] =	stream.linear.scatter [tilespmem:s9], [sflag:$0x2], $0xC000, $0x38;
	[tilespmem:$0x18400] =	vst v63  }
0x7b: {  	_ =	swait.ge [sflag:s1], $0xC000  }
0x7c: {  	[sflag:s1] =	ssyncset.done $0x0  }
0x7d: {  	s10 =	rddreg [dreg:$0x7];
	[sflag:s1] =	ssyncadd.s32 $0xFFFF4000  }
0x7e: {  	[hbm4b:s10+s3] =	stream.linear.scatter [tilespmem:s30], [sflag:$0x3], $0xC000, $0x38;
	[tilespmem:$0x18400] =	vst v63  }
0x7f: {  	_ =	swait.ge [sflag:s31], $0xC000  }
0x80: {  	[sflag:s31] =	ssyncset.done $0x0  }
0x81: {  	s10 =	rddreg [dreg:$0x8];
	[sflag:s31] =	ssyncadd.s32 $0xFFFF4000  }
0x82: {  	[hbm4b:s10+s3] =	stream.linear.scatter [tilespmem:s9], [sflag:$0x2], $0xC000, $0x38;
	[tilespmem:$0x18400] =	vst v63  }
0x83: {  	_ =	swait.ge [sflag:s1], $0xC000  }
0x84: {  	[sflag:s1] =	ssyncset.done $0x0  }
0x85: {  	s10 =	rddreg [dreg:$0x9];
	[sflag:s1] =	ssyncadd.s32 $0xFFFF4000  }
0x86: {  	[hbm4b:s10+s3] =	stream.linear.scatter [tilespmem:s30], [sflag:$0x3], $0xC000, $0x38;
	[tilespmem:$0x18400] =	vst v63  }
0x87: {  	_ =	swait.ge [sflag:s31], $0xC000  }
0x88: {  	[sflag:s31] =	ssyncset.done $0x0  }
0x89: {  	s10 =	rddreg [dreg:$0xa];
	[sflag:s31] =	ssyncadd.s32 $0xFFFF4000  }
0x8a: {  	[hbm4b:s10+s3] =	stream.linear.scatter [tilespmem:s9], [sflag:$0x2], $0xC000, $0x38;
	[tilespmem:$0x18400] =	vst v63  }
0x8b: {  	_ =	swait.ge [sflag:s1], $0xC000  }
0x8c: {  	[sflag:s1] =	ssyncset.done $0x0  }
0x8d: {  	s10 =	rddreg [dreg:$0xb];
	[sflag:s1] =	ssyncadd.s32 $0xFFFF4000  }
0x8e: {  	[hbm4b:s10+s3] =	stream.linear.scatter [tilespmem:s30], [sflag:$0x3], $0xC000, $0x38;
	[tilespmem:$0x18400] =	vst v63  }
0x8f: {  	_ =	swait.ge [sflag:s31], $0xC000  }
0x90: {  	[sflag:s31] =	ssyncset.done $0x0  }
0x91: {  	s10 =	rddreg [dreg:$0xc];
	[sflag:s31] =	ssyncadd.s32 $0xFFFF4000  }
0x92: {  	[hbm4b:s10+s3] =	stream.linear.scatter [tilespmem:s9], [sflag:$0x2], $0xC000, $0x38;
	[tilespmem:$0x18400] =	vst v63  }
0x93: {  	_ =	swait.ge [sflag:s1], $0xC000  }
0x94: {  	[sflag:s1] =	ssyncset.done $0x0  }
0x95: {  	s10 =	rddreg [dreg:$0xd];
	[sflag:s1] =	ssyncadd.s32 $0xFFFF4000  }
0x96: {  	[hbm4b:s10+s3] =	stream.linear.scatter [tilespmem:s30], [sflag:$0x3], $0xC000, $0x38;
	[tilespmem:$0x18400] =	vst v63  }
0x97: {  	_ =	swait.ge [sflag:s31], $0xC000  }
0x98: {  	[sflag:s31] =	ssyncset.done $0x0  }
0x99: {  	s10 =	rddreg [dreg:$0xe];
	[sflag:s31] =	ssyncadd.s32 $0xFFFF4000  }
0x9a: {  	[hbm4b:s10+s3] =	stream.linear.scatter [tilespmem:s9], [sflag:$0x2], $0xC000, $0x38;
	[tilespmem:$0x18400] =	vst v63  }
0x9b: {  	_ =	swait.ge [sflag:s1], $0xC000  }
0x9c: {  	[sflag:s1] =	ssyncset.done $0x0  }
0x9d: {  	s10 =	rddreg [dreg:$0xf];
	[sflag:s1] =	ssyncadd.s32 $0xFFFF4000  }
0x9e: {  	[hbm4b:s10+s3] =	stream.linear.scatter [tilespmem:s30], [sflag:$0x3], $0xC000, $0x38;
	[tilespmem:$0x18400] =	vst v63  }
0x9f: {  	_ =	swait.ge [sflag:s31], $0xC000  }
0xa0: {  	[sflag:s31] =	ssyncset.done $0x0  }
0xa1: {  	s10 =	rddreg [dreg:$0x10];
	[sflag:s31] =	ssyncadd.s32 $0xFFFF4000  }
0xa2: {  	[hbm4b:s10+s3] =	stream.linear.scatter [tilespmem:s9], [sflag:$0x2], $0xC000, $0x38;
	[tilespmem:$0x18400] =	vst v63  }
0xa3: {  	_ =	swait.ge [sflag:s1], $0xC000  }
0xa4: {  	[sflag:s1] =	ssyncset.done $0x0  }
0xa5: {  	s10 =	rddreg [dreg:$0x11];
	[sflag:s1] =	ssyncadd.s32 $0xFFFF4000  }
0xa6: {  	[hbm4b:s10+s3] =	stream.linear.scatter [tilespmem:s30], [sflag:$0x3], $0xC000, $0x38;
	[tilespmem:$0x18400] =	vst v63  }
0xa7: {  	_ =	swait.ge [sflag:s31], $0xC000  }
0xa8: {  	[sflag:s31] =	ssyncset.done $0x0  }
0xa9: {  	s10 =	rddreg [dreg:$0x12];
	[sflag:s31] =	ssyncadd.s32 $0xFFFF4000  }
0xaa: {  	[hbm4b:s10+s3] =	stream.linear.scatter [tilespmem:s9], [sflag:$0x2], $0xC000, $0x38;
	[tilespmem:$0x18400] =	vst v63  }
0xab: {  	_ =	swait.ge [sflag:s1], $0xC000  }
0xac: {  	[sflag:s1] =	ssyncset.done $0x0  }
0xad: {  	s10 =	rddreg [dreg:$0x13];
	[sflag:s1] =	ssyncadd.s32 $0xFFFF4000  }
0xae: {  	[hbm4b:s10+s3] =	stream.linear.scatter [tilespmem:s30], [sflag:$0x3], $0xC000, $0x38;
	[tilespmem:$0x18400] =	vst v63  }
0xaf: {  	p0 =	sne.s32 s7, $0x1;
	_ =	swait.ge [sflag:s31], $0xC000  }
.Ltmp0:
0xb0: {  	[sflag:s31] =	ssyncset.done $0x0;
	(pc) =	sbr.rel @p0 .LBB2_1-.Ltmp0, $4  }
0xb1: {  	[sflag:s31] =	ssyncadd.s32 $0xFFFF4000  }
0xb2: {  	_ =	swait.ge [sflag:s1], $0xC000  }
0xb3: {  	[sflag:s1] =	ssyncset.done $0x0  }
0xb4: {  	s7 =	sadd.s32 $0xFFFFFFFF, s7;
	[sflag:s1] =	ssyncadd.s32 $0xFFFF4000  }
0xb5: {  	_ =	sfence.sel $0x180000  }
0xb6: {  	[bflag:$0x0] =	sbarrier.arrive $0xFFFF  }
0xb7: {  	_ =	strace $0x90000047  }
0xb8: {  	s0 =	stileid.u32;
	[bflag:$0x2] =	sbarrier.arrive $0xFFFF  }
0xb9: {  	p0 =	sne.s32 s0, $0x0;
	s0 =	rddreg [dreg:$0x3]  }
0xba: {  	s0 =	sadd.s32 @!p0 $0x100000, s0  }
0xbb: {  	[sflag:s0] =	ssyncadd.tile.s32 @!p0 $0x1;
	_ =	shalt  }
.Lfunc_end2:
_tile_overlayer_lowered:
.L_overlay_start_2:
0xbc: {  	(tag) =	ssettag $0x2  }
0xbd: {  	s0 =	rddreg [dreg:$0x0];
	s2 =	stileid.u32  }
0xbe: {  	s1 =	rddreg [dreg:$0x1];
	p0 =	sne.s32 s2, $0x0  }
0xbf: {  	s3 =	rddreg [dreg:$0x2];
	[bflag:$0x3] =	sbarrier.arrive $0xFFFF;
	s2 =	simm.s32 @!p0 $0x1C04  }
0xc0: {  	[timem:s3], [sflag:s2] =	dma.local @!p0 [hbm:s0], s1  }
0xc1: {  	s0 =	simm.s32 @!p0 $0x4  }
0xc2: {  	_ =	swait.ge @!p0 [sflag:s0], s1  }
0xc3: {  	s1 =	ssub.s32 @!p0 $0x0, s1;
	[sflag:s0] =	ssyncset.done @!p0 $0x0  }
0xc4: {  	[sflag:s0] =	ssyncadd.s32 @!p0 s1  }
0xc5: {  	[bflag:$0x3] =	sbarrier.arrive $0xFFFF  }
0xc6: {  	_ =	shalt  }

</sc_bundles>
